<compile_context>
chip_gen: v7x
topology: tpu7x:2x2x1
jax: 0.10.2.dev20260603
libtpu: 0.0.44.dev20260713+nightly
codegen_flags: <defaults>
</compile_context>

<pallas_src>
import functools

import jax
import jax.numpy as jnp
from jax import lax
from jax.experimental import pallas as pl
from jax.experimental.pallas import tpu as pltpu
from jax.experimental.pallas import tpu_sc as plsc

VOCAB = 100000
EMBED_DIM = 64
BATCH = 4096
HIST = 200

NUM_CORES = 2
NUM_SUBCORES = 16
LANES = 16
NUM_WORKERS = NUM_CORES * NUM_SUBCORES
ROWS_PER_W = BATCH // NUM_WORKERS
GROUPS = ROWS_PER_W // LANES

_S_BLOCK = 8192
HALF_WORDS = 65536
_S_GRID = HALF_WORDS // _S_BLOCK
_EMB_BLOCKS = (VOCAB + _S_BLOCK - 1) // _S_BLOCK


def _bf16_bits(s):
    bits = jax.lax.bitcast_convert_type(s, jnp.int32)
    rne = jnp.int32(0x7FFF) + (jax.lax.shift_right_logical(bits, 16) & 1)
    return jax.lax.shift_right_logical(bits + rne, 16)


def _s_body(eA_ref, eB_ref, w_ref, b_ref, out_ref):
    w = w_ref[...]

    def s_of(e_ref):
        s = jax.lax.dot_general(
            w, e_ref[...], (((1,), (0,)), ((), ())),
            preferred_element_type=jnp.float32)
        return ((s + b_ref[0]) * (1.0 / HIST)).reshape(_S_BLOCK)

    lo = _bf16_bits(s_of(eA_ref))
    hi = _bf16_bits(s_of(eB_ref))
    out_ref[...] = lo | jax.lax.shift_left(hi, 16)


def _compute_s(emb, W, b):
    return pl.pallas_call(
        _s_body,
        grid=(_S_GRID,),
        in_specs=[
            pl.BlockSpec((EMBED_DIM, _S_BLOCK), lambda i: (0, i)),
            pl.BlockSpec(
                (EMBED_DIM, _S_BLOCK),
                lambda i: (0, jnp.minimum(i + _S_GRID, _EMB_BLOCKS - 1))),
            pl.BlockSpec((1, EMBED_DIM), lambda i: (0, 0)),
            pl.BlockSpec(memory_space=pltpu.SMEM),
        ],
        out_specs=pl.BlockSpec((_S_BLOCK,), lambda i: (i,)),
        out_shape=jax.ShapeDtypeStruct((HALF_WORDS,), jnp.int32),
    )(emb.T, emb.T, W, b)


def _make_sc_kernel(interpret=False):
    mesh = plsc.VectorSubcoreMesh(
        core_axis_name="c", subcore_axis_name="s",
        num_cores=NUM_CORES, num_subcores=NUM_SUBCORES)

    @functools.partial(
        pl.kernel,
        mesh=mesh,
        out_type=jax.ShapeDtypeStruct((BATCH,), jnp.float32),
        scratch_types=[
            pltpu.VMEM((HALF_WORDS,), jnp.int32),
            pltpu.VMEM((HIST, ROWS_PER_W), jnp.int32),
            pltpu.VMEM((ROWS_PER_W,), jnp.float32),
            pltpu.VMEM_SHARED((HALF_WORDS,), jnp.int32),
            pltpu.SemaphoreType.DMA,
            pltpu.SemaphoreType.DMA,
        ],
        compiler_params=pltpu.CompilerParams(needs_layout_passes=False),
        interpret=interpret,
    )
    def sc_kernel(s_hbm, xT_hbm, out_hbm, table_v, idx_v, out_v,
                  table_sh, sem_t, sem_i):
        sid = lax.axis_index("s")
        wid = sid * NUM_CORES + lax.axis_index("c")
        cp_i = pltpu.async_copy(
            xT_hbm.at[:, pl.ds(wid * ROWS_PER_W, ROWS_PER_W)], idx_v, sem_i)
        @pl.when(sid == 0)
        def _():
            pltpu.sync_copy(s_hbm, table_sh)
        plsc.subcore_barrier()
        cp_t = pltpu.async_copy(table_sh, table_v, sem_t)
        cp_i.wait()
        cp_t.wait()
        def group(g, _):
            def body(l, acc):
                ind = idx_v[l, pl.ds(g * LANES, LANES)]
                word = plsc.load_gather(table_v, [ind & 0xFFFF])
                sh = lax.shift_left(lax.shift_right_logical(ind, 16), 4)
                f32b = lax.shift_left(lax.shift_right_logical(word, sh), 16)
                return acc + plsc.bitcast(f32b, jnp.float32)

            acc = lax.fori_loop(0, HIST, body,
                                jnp.zeros((LANES,), jnp.float32),
                                unroll=8)
            out_v[pl.ds(g * LANES, LANES)] = 1.0 / (1.0 + jnp.exp(-acc))
            return 0

        lax.fori_loop(0, GROUPS, group, 0)
        pltpu.sync_copy(
            out_v, out_hbm.at[pl.ds(wid * ROWS_PER_W, ROWS_PER_W)])

    return sc_kernel


_sc_kernel_cache = {}


def _get_sc_kernel():
    if "k" not in _sc_kernel_cache:
        _sc_kernel_cache["k"] = _make_sc_kernel()
    return _sc_kernel_cache["k"]


def kernel(x, emb, W, b):
    s = _compute_s(emb, W, b)
    out = _get_sc_kernel()(s, x.T)
    return out.reshape(BATCH, 1)

# --- scband reference (transcript-rebuilt; emitter-appended) ---
"""Pipeline reference for scband-custom-model-13606456394112 (READ-ONLY COPY).

The authoritative reference and input builder live on the scoring server;
editing this copy changes nothing except your own understanding.
"""

import jax, jax.numpy as jnp
import numpy as np

VOCAB = 100000
EMBED_DIM = 64
BATCH = 4096
HIST = 200

def setup_inputs(seed: int = 0) -> dict:
    key = jax.random.key(seed)
    k1, k2, k3, k4 = jax.random.split(key, 4)
    x = jax.random.randint(k1, (BATCH, HIST), 0, VOCAB, dtype=jnp.int64 if jax.config.jax_enable_x64 else jnp.int32)
    # xavier_uniform init for embedding table: bound = sqrt(6/(fan_in+fan_out))
    bound = float(np.sqrt(6.0 / (VOCAB + EMBED_DIM)))
    emb = jax.random.uniform(k2, (VOCAB, EMBED_DIM), minval=-bound, maxval=bound, dtype=jnp.float32)
    # Linear(embed_dim, 1): kaiming-uniform-ish default torch init bound = 1/sqrt(fan_in)
    wb = float(1.0 / np.sqrt(EMBED_DIM))
    W = jax.random.uniform(k3, (1, EMBED_DIM), minval=-wb, maxval=wb, dtype=jnp.float32)
    b = jax.random.uniform(k4, (1,), minval=-wb, maxval=wb, dtype=jnp.float32)
    return {"x": x, "emb": emb, "W": W, "b": b}

def reference(x, emb, W, b):
    # embedding lookup (gather)
    e = jnp.take(emb, x, axis=0)            # [B, L, D]
    embedded_avg = jnp.mean(e, axis=1)       # [B, D]
    logits = embedded_avg @ W.T + b          # [B, 1]
    return jax.nn.sigmoid(logits)

if __name__ == "__main__":
    import jax
    _d = setup_inputs()
    print(jax.jit(kernel)(*tuple(_d.values())))

</pallas_src>

<mosaic_0001>
#map = affine_map<(d0, d1) -> (0)>
#map1 = affine_map<(d0, d1) -> (0, 0)>
module attributes {stable_mosaic.version = 14 : i64} {
  func.func @sc_kernel(%arg0: i32, %arg1: i32, %arg2: memref<65536xi32, #tpu.memory_space<hbm>>, %arg3: memref<200x4096xi32, #tpu.memory_space<hbm>>, %arg4: memref<4096xf32, #tpu.memory_space<hbm>>, %arg5: memref<65536xi32, #tpu.memory_space<vmem>>, %arg6: memref<200x128xi32, #tpu.memory_space<vmem>>, %arg7: memref<128xf32, #tpu.memory_space<vmem>>, %arg8: memref<65536xi32, #tpu.memory_space<vmem_shared>>, %arg9: memref<!tpu.dma_semaphore, #tpu.memory_space<semaphore_mem>>, %arg10: memref<!tpu.dma_semaphore, #tpu.memory_space<semaphore_mem>>) attributes {dimension_semantics = [#tpu.dimension_semantics<core_parallel>, #tpu.dimension_semantics<subcore_parallel>], iteration_bounds = array<i64: 2, 16>, scalar_prefetch = 0 : i64, scratch_operands = 6 : i64, tpu.core_type = #tpu.core_type<sc_vector_subcore>, window_params = [{transform_indices = #map}, {transform_indices = #map1}, {transform_indices = #map}]} {
    %mul3A = arith.constant 2 : i32
    %mul3A_0 = arith.muli %arg1, %mul3A : i32
    %add3A = arith.addi %mul3A_0, %arg0 : i32
    %mul3A_1 = arith.constant 128 : i32
    %mul3A_2 = arith.muli %add3A, %mul3A_1 : i32
    %dma_start3A = arith.constant 0 : i32
    %dma_start3A_3 = tpu.memref_slice %arg3[%dma_start3A, %mul3A_2] : memref<200x4096xi32, #tpu.memory_space<hbm>> -> memref<200x128xi32, #tpu.memory_space<hbm>>
    %dma_start3A_4 = arith.constant 0 : i32
    %dma_start3A_5 = tpu.memref_slice %arg3[%dma_start3A_4, %mul3A_2] : memref<200x4096xi32, #tpu.memory_space<hbm>> -> memref<200x128xi32, #tpu.memory_space<hbm>>
    tpu.enqueue_dma source(%dma_start3A_5 : memref<200x128xi32, #tpu.memory_space<hbm>>) target(%arg6 : memref<200x128xi32, #tpu.memory_space<vmem>>) target_semaphore(%arg10 : memref<!tpu.dma_semaphore, #tpu.memory_space<semaphore_mem>>)
    %eq3A = arith.constant 0 : i32
    %eq3A_6 = arith.cmpi eq, %arg1, %eq3A : i32
    %convert_element_type3A = arith.extui %eq3A_6 : i1 to i32
    %cond3A = arith.constant 0 : i32
    %cond3A_7 = arith.cmpi ne, %convert_element_type3A, %cond3A : i32
    scf.if %cond3A_7 {
      "tpu.region"() ({
        %run_scoped3A = tpu.sem_alloc : memref<!tpu.dma_semaphore, #tpu.memory_space<semaphore_mem>>
        tpu.enqueue_dma source(%arg2 : memref<65536xi32, #tpu.memory_space<hbm>>) target(%arg8 : memref<65536xi32, #tpu.memory_space<vmem_shared>>) target_semaphore(%run_scoped3A : memref<!tpu.dma_semaphore, #tpu.memory_space<semaphore_mem>>)
        tpu.wait_dma2 semaphore(%run_scoped3A : memref<!tpu.dma_semaphore, #tpu.memory_space<semaphore_mem>>) src(%arg2 : memref<65536xi32, #tpu.memory_space<hbm>>) dst(%arg8 : memref<65536xi32, #tpu.memory_space<vmem_shared>>)
        tpu.yield
      }) : () -> ()
    } else {
    }
    %barrier3A = arith.constant 0 : index
    tpu.barrier barrier_id(%barrier3A)
    tpu.enqueue_dma source(%arg8 : memref<65536xi32, #tpu.memory_space<vmem_shared>>) target(%arg5 : memref<65536xi32, #tpu.memory_space<vmem>>) target_semaphore(%arg9 : memref<!tpu.dma_semaphore, #tpu.memory_space<semaphore_mem>>)
    %dma_wait3A = arith.constant 0 : i32
    %dma_wait3A_8 = tpu.memref_slice %arg3[%dma_wait3A, %mul3A_2] : memref<200x4096xi32, #tpu.memory_space<hbm>> -> memref<200x128xi32, #tpu.memory_space<hbm>>
    %dma_wait3A_9 = arith.constant 0 : i32
    %dma_wait3A_10 = tpu.memref_slice %arg3[%dma_wait3A_9, %mul3A_2] : memref<200x4096xi32, #tpu.memory_space<hbm>> -> memref<200x128xi32, #tpu.memory_space<hbm>>
    tpu.wait_dma2 semaphore(%arg10 : memref<!tpu.dma_semaphore, #tpu.memory_space<semaphore_mem>>) src(%dma_wait3A_10 : memref<200x128xi32, #tpu.memory_space<hbm>>) dst(%arg6 : memref<200x128xi32, #tpu.memory_space<vmem>>)
    tpu.wait_dma2 semaphore(%arg9 : memref<!tpu.dma_semaphore, #tpu.memory_space<semaphore_mem>>) src(%arg8 : memref<65536xi32, #tpu.memory_space<vmem_shared>>) dst(%arg5 : memref<65536xi32, #tpu.memory_space<vmem>>)
    %scan3A = arith.constant 0 : i32
    %scan3A_11 = arith.constant 0 : i32
    %scan3A_12 = arith.constant 8 : i32
    %scan3A_13 = arith.addi %scan3A_11, %scan3A_12 : i32
    %scan3A_14 = arith.constant 1 : i32
    %scan3A_15 = scf.for %scan3A_19 = %scan3A_11 to %scan3A_13 step %scan3A_14 iter_args(%scan3A_20 = %scan3A) -> (i32)  : i32 {
      %broadcast_in_dim3A = arith.constant 0.000000e+00 : f32
      %broadcast_in_dim3A_21 = vector.broadcast %broadcast_in_dim3A : f32 to vector<16xf32>
      %scan3A_22 = arith.constant 0 : i32
      %scan3A_23 = arith.constant 200 : i32
      %scan3A_24 = arith.addi %scan3A_22, %scan3A_23 : i32
      %scan3A_25 = arith.constant 8 : i32
      %scan3A_26 = scf.for %scan3A_39 = %scan3A_22 to %scan3A_24 step %scan3A_25 iter_args(%scan3A_40 = %broadcast_in_dim3A_21) -> (vector<16xf32>)  : i32 {
        %mul3A_41 = arith.constant 16 : i32
        %mul3A_42 = arith.muli %scan3A_19, %mul3A_41 : i32
        %get3A = arith.index_cast %scan3A_39 : i32 to index
        %get3A_43 = arith.index_cast %mul3A_42 : i32 to index
        %get3A_44 = tpu.vector_load %arg6[%get3A, %get3A_43] {strides = array<i32>} : memref<200x128xi32, #tpu.memory_space<vmem>>, vector<16xi32>,
        %and3A = arith.constant 65535 : i32
        %and3A_45 = vector.broadcast %and3A : i32 to vector<16xi32>
        %and3A_46 = arith.andi %get3A_44, %and3A_45 : vector<16xi32>
        %gather3A = tpu.vector_load_idx %arg5[%and3A_46] : memref<65536xi32, #tpu.memory_space<vmem>>[vector<16xi32>], vector<16xi32>,
        %shift_right_logical3A = arith.constant 16 : i32
        %shift_right_logical3A_47 = vector.broadcast %shift_right_logical3A : i32 to vector<16xi32>
        %shift_right_logical3A_48 = arith.shrui %get3A_44, %shift_right_logical3A_47 : vector<16xi32>
        %shift_left3A = arith.constant 4 : i32
        %shift_left3A_49 = vector.broadcast %shift_left3A : i32 to vector<16xi32>
        %shift_left3A_50 = arith.shli %shift_right_logical3A_48, %shift_left3A_49 : vector<16xi32>
        %shift_right_logical3A_51 = arith.shrui %gather3A, %shift_left3A_50 : vector<16xi32>
        %shift_left3A_52 = arith.constant 16 : i32
        %shift_left3A_53 = vector.broadcast %shift_left3A_52 : i32 to vector<16xi32>
        %shift_left3A_54 = arith.shli %shift_right_logical3A_51, %shift_left3A_53 : vector<16xi32>
        %bitcast3A = vector.bitcast %shift_left3A_54 : vector<16xi32> to vector<16xf32>
        %add3A_55 = arith.addf %scan3A_40, %bitcast3A : vector<16xf32>
        %scan3A_56 = arith.constant 1 : i32
        %scan3A_57 = arith.addi %scan3A_39, %scan3A_56 : i32
        %mul3A_58 = arith.constant 16 : i32
        %mul3A_59 = arith.muli %scan3A_19, %mul3A_58 : i32
        %get3A_60 = arith.index_cast %scan3A_57 : i32 to index
        %get3A_61 = arith.index_cast %mul3A_59 : i32 to index
        %get3A_62 = tpu.vector_load %arg6[%get3A_60, %get3A_61] {strides = array<i32>} : memref<200x128xi32, #tpu.memory_space<vmem>>, vector<16xi32>,
        %and3A_63 = arith.constant 65535 : i32
        %and3A_64 = vector.broadcast %and3A_63 : i32 to vector<16xi32>
        %and3A_65 = arith.andi %get3A_62, %and3A_64 : vector<16xi32>
        %gather3A_66 = tpu.vector_load_idx %arg5[%and3A_65] : memref<65536xi32, #tpu.memory_space<vmem>>[vector<16xi32>], vector<16xi32>,
        %shift_right_logical3A_67 = arith.constant 16 : i32
        %shift_right_logical3A_68 = vector.broadcast %shift_right_logical3A_67 : i32 to vector<16xi32>
        %shift_right_logical3A_69 = arith.shrui %get3A_62, %shift_right_logical3A_68 : vector<16xi32>
        %shift_left3A_70 = arith.constant 4 : i32
        %shift_left3A_71 = vector.broadcast %shift_left3A_70 : i32 to vector<16xi32>
        %shift_left3A_72 = arith.shli %shift_right_logical3A_69, %shift_left3A_71 : vector<16xi32>
        %shift_right_logical3A_73 = arith.shrui %gather3A_66, %shift_left3A_72 : vector<16xi32>
        %shift_left3A_74 = arith.constant 16 : i32
        %shift_left3A_75 = vector.broadcast %shift_left3A_74 : i32 to vector<16xi32>
        %shift_left3A_76 = arith.shli %shift_right_logical3A_73, %shift_left3A_75 : vector<16xi32>
        %bitcast3A_77 = vector.bitcast %shift_left3A_76 : vector<16xi32> to vector<16xf32>
        %add3A_78 = arith.addf %add3A_55, %bitcast3A_77 : vector<16xf32>
        %scan3A_79 = arith.constant 2 : i32
        %scan3A_80 = arith.addi %scan3A_39, %scan3A_79 : i32
        %mul3A_81 = arith.constant 16 : i32
        %mul3A_82 = arith.muli %scan3A_19, %mul3A_81 : i32
        %get3A_83 = arith.index_cast %scan3A_80 : i32 to index
        %get3A_84 = arith.index_cast %mul3A_82 : i32 to index
        %get3A_85 = tpu.vector_load %arg6[%get3A_83, %get3A_84] {strides = array<i32>} : memref<200x128xi32, #tpu.memory_space<vmem>>, vector<16xi32>,
        %and3A_86 = arith.constant 65535 : i32
        %and3A_87 = vector.broadcast %and3A_86 : i32 to vector<16xi32>
        %and3A_88 = arith.andi %get3A_85, %and3A_87 : vector<16xi32>
        %gather3A_89 = tpu.vector_load_idx %arg5[%and3A_88] : memref<65536xi32, #tpu.memory_space<vmem>>[vector<16xi32>], vector<16xi32>,
        %shift_right_logical3A_90 = arith.constant 16 : i32
        %shift_right_logical3A_91 = vector.broadcast %shift_right_logical3A_90 : i32 to vector<16xi32>
        %shift_right_logical3A_92 = arith.shrui %get3A_85, %shift_right_logical3A_91 : vector<16xi32>
        %shift_left3A_93 = arith.constant 4 : i32
        %shift_left3A_94 = vector.broadcast %shift_left3A_93 : i32 to vector<16xi32>
        %shift_left3A_95 = arith.shli %shift_right_logical3A_92, %shift_left3A_94 : vector<16xi32>
        %shift_right_logical3A_96 = arith.shrui %gather3A_89, %shift_left3A_95 : vector<16xi32>
        %shift_left3A_97 = arith.constant 16 : i32
        %shift_left3A_98 = vector.broadcast %shift_left3A_97 : i32 to vector<16xi32>
        %shift_left3A_99 = arith.shli %shift_right_logical3A_96, %shift_left3A_98 : vector<16xi32>
        %bitcast3A_100 = vector.bitcast %shift_left3A_99 : vector<16xi32> to vector<16xf32>
        %add3A_101 = arith.addf %add3A_78, %bitcast3A_100 : vector<16xf32>
        %scan3A_102 = arith.constant 3 : i32
        %scan3A_103 = arith.addi %scan3A_39, %scan3A_102 : i32
        %mul3A_104 = arith.constant 16 : i32
        %mul3A_105 = arith.muli %scan3A_19, %mul3A_104 : i32
        %get3A_106 = arith.index_cast %scan3A_103 : i32 to index
        %get3A_107 = arith.index_cast %mul3A_105 : i32 to index
        %get3A_108 = tpu.vector_load %arg6[%get3A_106, %get3A_107] {strides = array<i32>} : memref<200x128xi32, #tpu.memory_space<vmem>>, vector<16xi32>,
        %and3A_109 = arith.constant 65535 : i32
        %and3A_110 = vector.broadcast %and3A_109 : i32 to vector<16xi32>
        %and3A_111 = arith.andi %get3A_108, %and3A_110 : vector<16xi32>
        %gather3A_112 = tpu.vector_load_idx %arg5[%and3A_111] : memref<65536xi32, #tpu.memory_space<vmem>>[vector<16xi32>], vector<16xi32>,
        %shift_right_logical3A_113 = arith.constant 16 : i32
        %shift_right_logical3A_114 = vector.broadcast %shift_right_logical3A_113 : i32 to vector<16xi32>
        %shift_right_logical3A_115 = arith.shrui %get3A_108, %shift_right_logical3A_114 : vector<16xi32>
        %shift_left3A_116 = arith.constant 4 : i32
        %shift_left3A_117 = vector.broadcast %shift_left3A_116 : i32 to vector<16xi32>
        %shift_left3A_118 = arith.shli %shift_right_logical3A_115, %shift_left3A_117 : vector<16xi32>
        %shift_right_logical3A_119 = arith.shrui %gather3A_112, %shift_left3A_118 : vector<16xi32>
        %shift_left3A_120 = arith.constant 16 : i32
        %shift_left3A_121 = vector.broadcast %shift_left3A_120 : i32 to vector<16xi32>
        %shift_left3A_122 = arith.shli %shift_right_logical3A_119, %shift_left3A_121 : vector<16xi32>
        %bitcast3A_123 = vector.bitcast %shift_left3A_122 : vector<16xi32> to vector<16xf32>
        %add3A_124 = arith.addf %add3A_101, %bitcast3A_123 : vector<16xf32>
        %scan3A_125 = arith.constant 4 : i32
        %scan3A_126 = arith.addi %scan3A_39, %scan3A_125 : i32
        %mul3A_127 = arith.constant 16 : i32
        %mul3A_128 = arith.muli %scan3A_19, %mul3A_127 : i32
        %get3A_129 = arith.index_cast %scan3A_126 : i32 to index
        %get3A_130 = arith.index_cast %mul3A_128 : i32 to index
        %get3A_131 = tpu.vector_load %arg6[%get3A_129, %get3A_130] {strides = array<i32>} : memref<200x128xi32, #tpu.memory_space<vmem>>, vector<16xi32>,
        %and3A_132 = arith.constant 65535 : i32
        %and3A_133 = vector.broadcast %and3A_132 : i32 to vector<16xi32>
        %and3A_134 = arith.andi %get3A_131, %and3A_133 : vector<16xi32>
        %gather3A_135 = tpu.vector_load_idx %arg5[%and3A_134] : memref<65536xi32, #tpu.memory_space<vmem>>[vector<16xi32>], vector<16xi32>,
        %shift_right_logical3A_136 = arith.constant 16 : i32
        %shift_right_logical3A_137 = vector.broadcast %shift_right_logical3A_136 : i32 to vector<16xi32>
        %shift_right_logical3A_138 = arith.shrui %get3A_131, %shift_right_logical3A_137 : vector<16xi32>
        %shift_left3A_139 = arith.constant 4 : i32
        %shift_left3A_140 = vector.broadcast %shift_left3A_139 : i32 to vector<16xi32>
        %shift_left3A_141 = arith.shli %shift_right_logical3A_138, %shift_left3A_140 : vector<16xi32>
        %shift_right_logical3A_142 = arith.shrui %gather3A_135, %shift_left3A_141 : vector<16xi32>
        %shift_left3A_143 = arith.constant 16 : i32
        %shift_left3A_144 = vector.broadcast %shift_left3A_143 : i32 to vector<16xi32>
        %shift_left3A_145 = arith.shli %shift_right_logical3A_142, %shift_left3A_144 : vector<16xi32>
        %bitcast3A_146 = vector.bitcast %shift_left3A_145 : vector<16xi32> to vector<16xf32>
        %add3A_147 = arith.addf %add3A_124, %bitcast3A_146 : vector<16xf32>
        %scan3A_148 = arith.constant 5 : i32
        %scan3A_149 = arith.addi %scan3A_39, %scan3A_148 : i32
        %mul3A_150 = arith.constant 16 : i32
        %mul3A_151 = arith.muli %scan3A_19, %mul3A_150 : i32
        %get3A_152 = arith.index_cast %scan3A_149 : i32 to index
        %get3A_153 = arith.index_cast %mul3A_151 : i32 to index
        %get3A_154 = tpu.vector_load %arg6[%get3A_152, %get3A_153] {strides = array<i32>} : memref<200x128xi32, #tpu.memory_space<vmem>>, vector<16xi32>,
        %and3A_155 = arith.constant 65535 : i32
        %and3A_156 = vector.broadcast %and3A_155 : i32 to vector<16xi32>
        %and3A_157 = arith.andi %get3A_154, %and3A_156 : vector<16xi32>
        %gather3A_158 = tpu.vector_load_idx %arg5[%and3A_157] : memref<65536xi32, #tpu.memory_space<vmem>>[vector<16xi32>], vector<16xi32>,
        %shift_right_logical3A_159 = arith.constant 16 : i32
        %shift_right_logical3A_160 = vector.broadcast %shift_right_logical3A_159 : i32 to vector<16xi32>
        %shift_right_logical3A_161 = arith.shrui %get3A_154, %shift_right_logical3A_160 : vector<16xi32>
        %shift_left3A_162 = arith.constant 4 : i32
        %shift_left3A_163 = vector.broadcast %shift_left3A_162 : i32 to vector<16xi32>
        %shift_left3A_164 = arith.shli %shift_right_logical3A_161, %shift_left3A_163 : vector<16xi32>
        %shift_right_logical3A_165 = arith.shrui %gather3A_158, %shift_left3A_164 : vector<16xi32>
        %shift_left3A_166 = arith.constant 16 : i32
        %shift_left3A_167 = vector.broadcast %shift_left3A_166 : i32 to vector<16xi32>
        %shift_left3A_168 = arith.shli %shift_right_logical3A_165, %shift_left3A_167 : vector<16xi32>
        %bitcast3A_169 = vector.bitcast %shift_left3A_168 : vector<16xi32> to vector<16xf32>
        %add3A_170 = arith.addf %add3A_147, %bitcast3A_169 : vector<16xf32>
        %scan3A_171 = arith.constant 6 : i32
        %scan3A_172 = arith.addi %scan3A_39, %scan3A_171 : i32
        %mul3A_173 = arith.constant 16 : i32
        %mul3A_174 = arith.muli %scan3A_19, %mul3A_173 : i32
        %get3A_175 = arith.index_cast %scan3A_172 : i32 to index
        %get3A_176 = arith.index_cast %mul3A_174 : i32 to index
        %get3A_177 = tpu.vector_load %arg6[%get3A_175, %get3A_176] {strides = array<i32>} : memref<200x128xi32, #tpu.memory_space<vmem>>, vector<16xi32>,
        %and3A_178 = arith.constant 65535 : i32
        %and3A_179 = vector.broadcast %and3A_178 : i32 to vector<16xi32>
        %and3A_180 = arith.andi %get3A_177, %and3A_179 : vector<16xi32>
        %gather3A_181 = tpu.vector_load_idx %arg5[%and3A_180] : memref<65536xi32, #tpu.memory_space<vmem>>[vector<16xi32>], vector<16xi32>,
        %shift_right_logical3A_182 = arith.constant 16 : i32
        %shift_right_logical3A_183 = vector.broadcast %shift_right_logical3A_182 : i32 to vector<16xi32>
        %shift_right_logical3A_184 = arith.shrui %get3A_177, %shift_right_logical3A_183 : vector<16xi32>
        %shift_left3A_185 = arith.constant 4 : i32
        %shift_left3A_186 = vector.broadcast %shift_left3A_185 : i32 to vector<16xi32>
        %shift_left3A_187 = arith.shli %shift_right_logical3A_184, %shift_left3A_186 : vector<16xi32>
        %shift_right_logical3A_188 = arith.shrui %gather3A_181, %shift_left3A_187 : vector<16xi32>
        %shift_left3A_189 = arith.constant 16 : i32
        %shift_left3A_190 = vector.broadcast %shift_left3A_189 : i32 to vector<16xi32>
        %shift_left3A_191 = arith.shli %shift_right_logical3A_188, %shift_left3A_190 : vector<16xi32>
        %bitcast3A_192 = vector.bitcast %shift_left3A_191 : vector<16xi32> to vector<16xf32>
        %add3A_193 = arith.addf %add3A_170, %bitcast3A_192 : vector<16xf32>
        %scan3A_194 = arith.constant 7 : i32
        %scan3A_195 = arith.addi %scan3A_39, %scan3A_194 : i32
        %mul3A_196 = arith.constant 16 : i32
        %mul3A_197 = arith.muli %scan3A_19, %mul3A_196 : i32
        %get3A_198 = arith.index_cast %scan3A_195 : i32 to index
        %get3A_199 = arith.index_cast %mul3A_197 : i32 to index
        %get3A_200 = tpu.vector_load %arg6[%get3A_198, %get3A_199] {strides = array<i32>} : memref<200x128xi32, #tpu.memory_space<vmem>>, vector<16xi32>,
        %and3A_201 = arith.constant 65535 : i32
        %and3A_202 = vector.broadcast %and3A_201 : i32 to vector<16xi32>
        %and3A_203 = arith.andi %get3A_200, %and3A_202 : vector<16xi32>
        %gather3A_204 = tpu.vector_load_idx %arg5[%and3A_203] : memref<65536xi32, #tpu.memory_space<vmem>>[vector<16xi32>], vector<16xi32>,
        %shift_right_logical3A_205 = arith.constant 16 : i32
        %shift_right_logical3A_206 = vector.broadcast %shift_right_logical3A_205 : i32 to vector<16xi32>
        %shift_right_logical3A_207 = arith.shrui %get3A_200, %shift_right_logical3A_206 : vector<16xi32>
        %shift_left3A_208 = arith.constant 4 : i32
        %shift_left3A_209 = vector.broadcast %shift_left3A_208 : i32 to vector<16xi32>
        %shift_left3A_210 = arith.shli %shift_right_logical3A_207, %shift_left3A_209 : vector<16xi32>
        %shift_right_logical3A_211 = arith.shrui %gather3A_204, %shift_left3A_210 : vector<16xi32>
        %shift_left3A_212 = arith.constant 16 : i32
        %shift_left3A_213 = vector.broadcast %shift_left3A_212 : i32 to vector<16xi32>
        %shift_left3A_214 = arith.shli %shift_right_logical3A_211, %shift_left3A_213 : vector<16xi32>
        %bitcast3A_215 = vector.bitcast %shift_left3A_214 : vector<16xi32> to vector<16xf32>
        %add3A_216 = arith.addf %add3A_193, %bitcast3A_215 : vector<16xf32>
        scf.yield %add3A_216 : vector<16xf32>
      }
      %scan3A_27 = arith.constant 200 : i32
      %neg3A = arith.constant 0.000000e+00 : f32
      %neg3A_28 = vector.broadcast %neg3A : f32 to vector<16xf32>
      %neg3A_29 = arith.subf %neg3A_28, %scan3A_26 : vector<16xf32>
      %exp3A = math.exp %neg3A_29 : vector<16xf32>
      %add3A_30 = arith.constant 1.000000e+00 : f32
      %add3A_31 = vector.broadcast %add3A_30 : f32 to vector<16xf32>
      %add3A_32 = arith.addf %add3A_31, %exp3A : vector<16xf32>
      %div3A = arith.constant 1.000000e+00 : f32
      %div3A_33 = vector.broadcast %div3A : f32 to vector<16xf32>
      %div3A_34 = arith.divf %div3A_33, %add3A_32 : vector<16xf32>
      %mul3A_35 = arith.constant 16 : i32
      %mul3A_36 = arith.muli %scan3A_19, %mul3A_35 : i32
      %swap3A = arith.index_cast %mul3A_36 : i32 to index
      %swap3A_37 = tpu.vector_load %arg7[%swap3A] {strides = array<i32>} : memref<128xf32, #tpu.memory_space<vmem>>, vector<16xf32>,
      tpu.vector_store %arg7[%swap3A], %div3A_34 {strides = array<i32>} : memref<128xf32, #tpu.memory_space<vmem>>, vector<16xf32>,
      %scan3A_38 = arith.constant 0 : i32
      scf.yield %scan3A_38 : i32
    }
    %scan3A_16 = arith.constant 8 : i32
    %mul3A_17 = arith.constant 128 : i32
    %mul3A_18 = arith.muli %add3A, %mul3A_17 : i32
    "tpu.region"() ({
      %run_scoped3A = tpu.sem_alloc : memref<!tpu.dma_semaphore, #tpu.memory_space<semaphore_mem>>
      %dma_start3A_19 = tpu.memref_slice %arg4[%mul3A_18] : memref<4096xf32, #tpu.memory_space<hbm>> -> memref<128xf32, #tpu.memory_space<hbm>>
      %dma_start3A_20 = tpu.memref_slice %arg4[%mul3A_18] : memref<4096xf32, #tpu.memory_space<hbm>> -> memref<128xf32, #tpu.memory_space<hbm>>
      tpu.enqueue_dma source(%arg7 : memref<128xf32, #tpu.memory_space<vmem>>) target(%dma_start3A_20 : memref<128xf32, #tpu.memory_space<hbm>>) target_semaphore(%run_scoped3A : memref<!tpu.dma_semaphore, #tpu.memory_space<semaphore_mem>>)
      %dma_wait3A_21 = tpu.memref_slice %arg4[%mul3A_18] : memref<4096xf32, #tpu.memory_space<hbm>> -> memref<128xf32, #tpu.memory_space<hbm>>
      %dma_wait3A_22 = tpu.memref_slice %arg4[%mul3A_18] : memref<4096xf32, #tpu.memory_space<hbm>> -> memref<128xf32, #tpu.memory_space<hbm>>
      tpu.wait_dma2 semaphore(%run_scoped3A : memref<!tpu.dma_semaphore, #tpu.memory_space<semaphore_mem>>) src(%arg7 : memref<128xf32, #tpu.memory_space<vmem>>) dst(%dma_wait3A_22 : memref<128xf32, #tpu.memory_space<hbm>>)
      tpu.yield
    }) : () -> ()
    return
  }
}

module attributes {stable_mosaic.version = 14 : i64} {
  func.func @_s_body(%arg0: i32, %arg1: memref<64x8192xf32, #tpu.memory_space<vmem>>, %arg2: memref<64x8192xf32, #tpu.memory_space<vmem>>, %arg3: memref<1x64xf32, #tpu.memory_space<vmem>>, %arg4: memref<1xf32, #tpu.memory_space<smem>>, %arg5: memref<8192xi32, #tpu.memory_space<vmem>>) attributes {dimension_semantics = [#tpu.dimension_semantics<arbitrary>], iteration_bounds = array<i64: 8>, scalar_prefetch = 0 : i64, scratch_operands = 0 : i64, tpu.core_type = #tpu.core_type<tc>, window_params = [{transform_indices = @transform_0, window_bounds = array<i64: 64, 8192>}, {transform_indices = @transform_1, window_bounds = array<i64: 64, 8192>}, {pipeline_mode = #tpu.pipeline_mode<synchronous>, transform_indices = @transform_2, window_bounds = array<i64: 1, 64>}, {transform_indices = @transform_3, window_bounds = array<i64: 1>}, {transform_indices = @transform_4, window_bounds = array<i64: 8192>}]} {
    %get3A = arith.constant 0 : index
    %get3A_0 = arith.constant 0 : index
    %get3A_1 = vector.load %arg3[%get3A, %get3A_0] : memref<1x64xf32, #tpu.memory_space<vmem>>, vector<1x64xf32>
    %get3A_2 = arith.constant 0 : index
    %get3A_3 = arith.constant 0 : index
    %get3A_4 = vector.load %arg1[%get3A_2, %get3A_3] : memref<64x8192xf32, #tpu.memory_space<vmem>>, vector<64x8192xf32>
    %dot_general3A = arith.constant dense<0.000000e+00> : vector<1x8192xf32>
    %dot_general3A_5 = tpu.matmul %get3A_1, %get3A_4, %dot_general3A {dimension_numbers = #tpu.dot_dimension_numbers<[1], [0], [0], [1], [0, 0, 1, 1], [], []>, transpose_lhs_hint = false} : vector<1x64xf32>, vector<64x8192xf32>, vector<1x8192xf32> -> vector<1x8192xf32>
    %get3A_6 = arith.constant 0 : index
    %get3A_7 = memref.load %arg4[%get3A_6] : memref<1xf32, #tpu.memory_space<smem>>
    %add3A = vector.broadcast %get3A_7 : f32 to vector<1x8192xf32>
    %add3A_8 = arith.addf %dot_general3A_5, %add3A : vector<1x8192xf32>
    %mul3A = arith.constant 5.000000e-03 : f32
    %mul3A_9 = vector.broadcast %mul3A : f32 to vector<1x8192xf32>
    %mul3A_10 = arith.mulf %add3A_8, %mul3A_9 : vector<1x8192xf32>
    %reshape3A = vector.shape_cast %mul3A_10 : vector<1x8192xf32> to vector<8192xf32>
    %bitcast_convert_type3A = tpu.bitcast %reshape3A : vector<8192xf32> -> vector<8192xi32>
    %shift_right_logical3A = arith.constant 16 : i32
    %shift_right_logical3A_11 = vector.broadcast %shift_right_logical3A : i32 to vector<8192xi32>
    %shift_right_logical3A_12 = arith.shrui %bitcast_convert_type3A, %shift_right_logical3A_11 : vector<8192xi32>
    %and3A = arith.constant 1 : i32
    %and3A_13 = vector.broadcast %and3A : i32 to vector<8192xi32>
    %and3A_14 = arith.andi %shift_right_logical3A_12, %and3A_13 : vector<8192xi32>
    %add3A_15 = arith.constant 32767 : i32
    %add3A_16 = vector.broadcast %add3A_15 : i32 to vector<8192xi32>
    %add3A_17 = arith.addi %add3A_16, %and3A_14 : vector<8192xi32>
    %add3A_18 = arith.addi %bitcast_convert_type3A, %add3A_17 : vector<8192xi32>
    %shift_right_logical3A_19 = arith.constant 16 : i32
    %shift_right_logical3A_20 = vector.broadcast %shift_right_logical3A_19 : i32 to vector<8192xi32>
    %shift_right_logical3A_21 = arith.shrui %add3A_18, %shift_right_logical3A_20 : vector<8192xi32>
    %get3A_22 = arith.constant 0 : index
    %get3A_23 = arith.constant 0 : index
    %get3A_24 = vector.load %arg2[%get3A_22, %get3A_23] : memref<64x8192xf32, #tpu.memory_space<vmem>>, vector<64x8192xf32>
    %dot_general3A_25 = arith.constant dense<0.000000e+00> : vector<1x8192xf32>
    %dot_general3A_26 = tpu.matmul %get3A_1, %get3A_24, %dot_general3A_25 {dimension_numbers = #tpu.dot_dimension_numbers<[1], [0], [0], [1], [0, 0, 1, 1], [], []>, transpose_lhs_hint = false} : vector<1x64xf32>, vector<64x8192xf32>, vector<1x8192xf32> -> vector<1x8192xf32>
    %get3A_27 = arith.constant 0 : index
    %get3A_28 = memref.load %arg4[%get3A_27] : memref<1xf32, #tpu.memory_space<smem>>
    %add3A_29 = vector.broadcast %get3A_28 : f32 to vector<1x8192xf32>
    %add3A_30 = arith.addf %dot_general3A_26, %add3A_29 : vector<1x8192xf32>
    %mul3A_31 = arith.constant 5.000000e-03 : f32
    %mul3A_32 = vector.broadcast %mul3A_31 : f32 to vector<1x8192xf32>
    %mul3A_33 = arith.mulf %add3A_30, %mul3A_32 : vector<1x8192xf32>
    %reshape3A_34 = vector.shape_cast %mul3A_33 : vector<1x8192xf32> to vector<8192xf32>
    %bitcast_convert_type3A_35 = tpu.bitcast %reshape3A_34 : vector<8192xf32> -> vector<8192xi32>
    %shift_right_logical3A_36 = arith.constant 16 : i32
    %shift_right_logical3A_37 = vector.broadcast %shift_right_logical3A_36 : i32 to vector<8192xi32>
    %shift_right_logical3A_38 = arith.shrui %bitcast_convert_type3A_35, %shift_right_logical3A_37 : vector<8192xi32>
    %and3A_39 = arith.constant 1 : i32
    %and3A_40 = vector.broadcast %and3A_39 : i32 to vector<8192xi32>
    %and3A_41 = arith.andi %shift_right_logical3A_38, %and3A_40 : vector<8192xi32>
    %add3A_42 = arith.constant 32767 : i32
    %add3A_43 = vector.broadcast %add3A_42 : i32 to vector<8192xi32>
    %add3A_44 = arith.addi %add3A_43, %and3A_41 : vector<8192xi32>
    %add3A_45 = arith.addi %bitcast_convert_type3A_35, %add3A_44 : vector<8192xi32>
    %shift_right_logical3A_46 = arith.constant 16 : i32
    %shift_right_logical3A_47 = vector.broadcast %shift_right_logical3A_46 : i32 to vector<8192xi32>
    %shift_right_logical3A_48 = arith.shrui %add3A_45, %shift_right_logical3A_47 : vector<8192xi32>
    %shift_left3A = arith.constant 16 : i32
    %shift_left3A_49 = vector.broadcast %shift_left3A : i32 to vector<8192xi32>
    %shift_left3A_50 = arith.shli %shift_right_logical3A_48, %shift_left3A_49 : vector<8192xi32>
    %or3A = arith.ori %shift_right_logical3A_21, %shift_left3A_50 : vector<8192xi32>
    %swap3A = arith.constant 0 : index
    %swap3A_51 = vector.load %arg5[%swap3A] : memref<8192xi32, #tpu.memory_space<vmem>>, vector<8192xi32>
    tpu.vector_store %arg5[%swap3A], %or3A {strides = array<i32>} : memref<8192xi32, #tpu.memory_space<vmem>>, vector<8192xi32>,
    return
  }
  func.func @transform_0(%arg0: i32) -> (i32, i32) {
    %c0_i32 = arith.constant 0 : i32
    %c0_i32_0 = arith.constant 0 : i32
    return %c0_i32, %arg0 : i32, i32
  }
  func.func @transform_1(%arg0: i32) -> (i32, i32) {
    %add3A = arith.constant 8 : i32
    %add3A_0 = arith.addi %arg0, %add3A : i32
    %min3A = arith.constant 12 : i32
    %min3A_1 = arith.minsi %add3A_0, %min3A : i32
    %c0_i32 = arith.constant 0 : i32
    %c0_i32_2 = arith.constant 0 : i32
    return %c0_i32, %min3A_1 : i32, i32
  }
  func.func @transform_2(%arg0: i32) -> (i32, i32) {
    %c0_i32 = arith.constant 0 : i32
    %c0_i32_0 = arith.constant 0 : i32
    %c0_i32_1 = arith.constant 0 : i32
    return %c0_i32, %c0_i32_0 : i32, i32
  }
  func.func @transform_3(%arg0: i32) -> i32 {
    %c0_i32 = arith.constant 0 : i32
    %c0_i32_0 = arith.constant 0 : i32
    return %c0_i32 : i32
  }
  func.func @transform_4(%arg0: i32) -> i32 {
    %c0_i32 = arith.constant 0 : i32
    return %arg0 : i32
  }
}

</mosaic_0001>

<sc_bundles>
// kernel: kernel.4.cloned.1.call-start
scs
__scs_entry_jumppad:
0x0: {  	(pc) =	sbr.rel $0x88, $3  }
0x1: {  	(tag) =	ssettag $0x0;
	lr =	simm.s32 $0x1  }
0x2: {  	[smem:$0x3F9D] =	sst lr;
	_ =	strace $0xD0000000  }
0x3: {  	_ = 	snop  }
0x4: {  	_ = 	snop  }
0x5: {  	_ = 	snop  }
0x6: {  	_ = 	snop  }
0x7: {  	_ = 	snop  }
__scs_overlays_trampoline_lowered:
0x8: {  	[smem:$0x3FAC] =	sst s0  }
0x9: {  	[smem:$0x3FAD] =	sst s1  }
0xa: {  	[smem:$0x3FAE] =	sst s2  }
0xb: {  	[smem:$0x3FAF] =	sst s3  }
0xc: {  	[smem:$0x3FB0] =	sst s4  }
0xd: {  	[smem:$0x3FB1] =	sst s5  }
0xe: {  	[smem:$0x3FB2] =	sst s6  }
0xf: {  	[smem:$0x3FB3] =	sst s7  }
0x10: {  	[smem:$0x3FB4] =	sst s8  }
0x11: {  	[smem:$0x3FB5] =	sst s9;
	s0 =	simm.s32 @!p0 $0x0  }
0x12: {  	s1 =	sld [smem:$0x3F9B];
	s0 =	simm.s32 @p0 $0x1  }
0x13: {  	[smem:$0x3FB6] =	sst s0;
	s0 =	simm.s32 @!p1 $0x0  }
0x14: {  	s2 =	sld [smem:$0x3F9A];
	s0 =	simm.s32 @p1 $0x1  }
0x15: {  	[smem:$0x3FB7] =	sst s0;
	s0 =	simm.s32 @!p2 $0x0  }
0x16: {  	s3 =	sld [smem:$0x3FDB];
	s0 =	simm.s32 @p2 $0x1  }
0x17: {  	s4 =	simm.s32 $0x1BF5;
	[smem:$0x3FB9] =	sst s0  }
0x18: {  	s0 =	sld [smem:$0x3F9C];
	_ =	swait.ge [sflag:s4], $0x0  }
0x19: {  	s7 =	sld [smem:$0x3F9D]  }
0x1a: {  	s8 =	sadd.s32 $0xFFFFE003, lr  }
0x1b: {  	s9 =	sadd.s32 $0xFFFFFEF7, lr;
	s5 =	simm.s32 $0xFFFFFFFF;
	p2 =	slt.u32 s8, $0xFFFFF086  }
0x1c: {  	p1 =	slt.u32 s9, $0xF7A;
	s5 =	simm.s32 @!p2 $0x0  }
0x1d: {  	s5 =	simm.s32 @p1 $0x1;
	p0 =	seq.s32 s7, s2  }
0x1e: {  	s7 =	smul.u32 @!p0 $0xF7A, s2;
	p2 =	seq.s32 @!p0 s5, $0x0  }
0x1f: {  	s9 =	smul.u32 $0xF7A, s1;
	s8 =	simm.s32 @!p0 $0x1BF5;
	p2 =	por !p2, p0  }
0x20: {  	[sflag:s8] =	ssyncset.s32 @!p0 $0xFFFFF086;
	s6 =	sadd.s32 @!p0 s3, s7;
	s7 =	simm.s32 @!p0 $0x108  }
0x21: {  	s3 =	sadd.s32 s3, s9;
	s6 =	sadd.s32 @!p0 $0x88, s6;
	s7 =	simm.s32 @p2 $0x1082  }
0x22: {  	[simem:s7], [sflag:s8] =	dma.local @!p0 [hbm:s6], $0xF7A  }
0x23: {  	s9 =	sor.u32 $0xD0000000, s2;
	s6 =	simm.s32 $0x108;
	_ =	swait.ge @!p0 [sflag:s8], $0x0  }
0x24: {  	s3 =	sadd.s32 $0x88, s3;
	s6 =	simm.s32 @!p1 $0x1082;
	[sflag:s4] =	ssyncset.s32 $0xFFFFF086  }
0x25: {  	[simem:s6], [sflag:s4] =	dma.local [hbm:s3], $0xF7A  }
0x26: {  	[smem:$0x3F9D] =	sst s1;
	(tag) =	ssettag s2;
	_ =	strace s9  }
0x27: {  	s1 =	sld [smem:$0x3FAD]  }
0x28: {  	s2 =	sld [smem:$0x3FAE]  }
0x29: {  	s4 =	sld [smem:$0x3FB0]  }
0x2a: {  	p0 =	seq.s32 s5, $0x0;
	s5 =	sld [smem:$0x3FB1]  }
0x2b: {  	s6 =	sld [smem:$0x3FB2]  }
0x2c: {  	s7 =	sld [smem:$0x3FB3]  }
0x2d: {  	s3 =	simm.s32 $0x108;
	s8 =	sld [smem:$0x3FB4]  }
0x2e: {  	s3 =	simm.s32 @!p0 $0x1082;
	s9 =	sld [smem:$0x3FB5]  }
0x2f: {  	lr =	sadd.s32 s0, s3;
	s0 =	sld [smem:$0x3FAC]  }
0x30: {  	s3 =	sld [smem:$0x3FAF]  }
0x31: {  	[smem:$0x3FB8] =	sst s10  }
0x32: {  	s10 =	sld [smem:$0x3FB6];
	_ =	sdelay $0x3  }
0x33: {  	p0 =	seq.s32 s10, $0x1;
	s10 =	sld [smem:$0x3FB8];
	_ =	sdelay $0x3  }
0x34: {  	[smem:$0x3FB8] =	sst s10  }
0x35: {  	s10 =	sld [smem:$0x3FB7];
	_ =	sdelay $0x3  }
0x36: {  	p1 =	seq.s32 s10, $0x1;
	s10 =	sld [smem:$0x3FB8];
	_ =	sdelay $0x3  }
0x37: {  	[smem:$0x3FB8] =	sst s10  }
0x38: {  	s10 =	sld [smem:$0x3FB9]  }
0x39: {  	_ = 	snop;
	(pc) =	sbr.ind lr, $3  }
0x3a: {  	_ = 	snop  }
0x3b: {  	_ = 	snop  }
0x3c: {  	p2 =	seq.s32 s10, $0x1;
	s10 =	sld [smem:$0x3FB8]  }
0x3d: {  	_ =	shalt  }
0x3e: {  	_ =	shalt  }
0x3f: {  	_ =	shalt  }
0x40: {  	_ =	shalt  }
0x41: {  	_ =	shalt  }
0x42: {  	_ =	shalt  }
0x43: {  	_ =	shalt  }
0x44: {  	_ =	shalt  }
0x45: {  	_ =	shalt  }
0x46: {  	_ =	shalt  }
0x47: {  	_ =	shalt  }
0x48: {  	_ =	shalt  }
0x49: {  	_ =	shalt  }
0x4a: {  	_ =	shalt  }
0x4b: {  	_ =	shalt  }
0x4c: {  	_ =	shalt  }
0x4d: {  	_ =	shalt  }
0x4e: {  	_ =	shalt  }
0x4f: {  	_ =	shalt  }
0x50: {  	_ =	shalt  }
0x51: {  	_ =	shalt  }
0x52: {  	_ =	shalt  }
0x53: {  	_ =	shalt  }
0x54: {  	_ =	shalt  }
0x55: {  	_ =	shalt  }
0x56: {  	_ =	shalt  }
0x57: {  	_ =	shalt  }
0x58: {  	_ =	shalt  }
0x59: {  	_ =	shalt  }
0x5a: {  	_ =	shalt  }
0x5b: {  	_ =	shalt  }
0x5c: {  	_ =	shalt  }
0x5d: {  	_ =	shalt  }
0x5e: {  	_ =	shalt  }
0x5f: {  	_ =	shalt  }
0x60: {  	_ =	shalt  }
0x61: {  	_ =	shalt  }
0x62: {  	_ =	shalt  }
0x63: {  	_ =	shalt  }
0x64: {  	_ =	shalt  }
0x65: {  	_ =	shalt  }
0x66: {  	_ =	shalt  }
0x67: {  	_ =	shalt  }
0x68: {  	_ =	shalt  }
0x69: {  	_ =	shalt  }
0x6a: {  	_ =	shalt  }
0x6b: {  	_ =	shalt  }
0x6c: {  	_ =	shalt  }
0x6d: {  	_ =	shalt  }
0x6e: {  	_ =	shalt  }
0x6f: {  	_ =	shalt  }
0x70: {  	_ =	shalt  }
0x71: {  	_ =	shalt  }
0x72: {  	_ =	shalt  }
0x73: {  	_ =	shalt  }
0x74: {  	_ =	shalt  }
0x75: {  	_ =	shalt  }
0x76: {  	_ =	shalt  }
0x77: {  	_ =	shalt  }
0x78: {  	_ =	shalt  }
0x79: {  	_ =	shalt  }
0x7a: {  	_ =	shalt  }
0x7b: {  	_ =	shalt  }
0x7c: {  	_ =	shalt  }
0x7d: {  	_ =	shalt  }
0x7e: {  	_ =	shalt  }
0x7f: {  	_ =	shalt  }
0x80: {  	_ =	shalt  }
0x81: {  	_ =	shalt  }
0x82: {  	_ =	shalt  }
0x83: {  	_ =	shalt  }
0x84: {  	_ =	shalt  }
0x85: {  	_ =	shalt  }
0x86: {  	_ =	shalt  }
0x87: {  	_ =	shalt  }
.Lfunc_end0:
.L_simem_size_0:
called_computation_lowered:
.L_overlay_start_0:
0x88: {  	s2 =	sld [smem:$0x3FD9]  }
0x89: {  	s3 =	sld [smem:$0x3FFE];
	_ =	sdelay $0x1  }
0x8a: {  	s1 =	srdreg.scid  }
0x8b: {  	s0 =	sand.u32 $0x1, s1  }
0x8c: {  	s17 =	sshll.u32 s0, $0xA;
	s2 =	sadd.s32 s3, s2  }
0x8d: {  	s2 =	sadd.s32 s2, s17  }
0x8e: {  	[smem:$0x3FC4] =	sst s2  }
0x8f: {  	_ = 	snop  }
0x90: {  	s2 =	sld [smem:$0x3FC9]  }
0x91: {  	s18 =	sld [smem:$0x3FD0];
	(tm) =	ssettm $0x1  }
0x92: {  	s4 =	sld [smem:$0x3FFB];
	_ =	sdelay $0x3  }
0x93: {  	_ =	strace s4  }
0x94: {  	s4 =	sld [smem:$0x3FFC];
	_ =	sdelay $0x3  }
0x95: {  	_ =	strace s4  }
0x96: {  	s4 =	sld [smem:$0x3FFD];
	_ =	sdelay $0x3  }
0x97: {  	_ =	strace s4  }
0x98: {  	_ =	strace $0x8FFFFFFF  }
0x99: {  	s19 =	sld [smem:$0x3FDB];
	_ =	sdelay $0x1  }
0x9a: {  	s5 =	simm.s32 $_scs_section_size  }
0x9b: {  	s6 =	simm.s32 $_size__tile_overlayer_lowered;
	s7 =	simm.s32 $_tile_overlayer_lowered  }
0x9c: {  	s22 =	simm.s32 $0x1BFF;
	s21 =	sshll.u32 s7, $0x1;
	s4 =	sadd.s32 s5, s19  }
0x9d: {  	s8 =	simm.s32 $0x0;
	s20 =	sshll.u32 s6, $0x1;
	s6 =	sadd.s32 s21, s4  }
0x9e: {  	[timem:s8], [sflag:s22] =	dma.local [hbm:s6], s20  }
0x9f: {  	_ =	swait.ge [sflag:s22], s20  }
0xa0: {  	s5 =	ssub.s32 $0x0, s20;
	[sflag:s22] =	ssyncset.done $0x0  }
0xa1: {  	[sflag:s22] =	ssyncadd.s32 s5;
	_ =	sdelay $0x1  }
0xa2: {  	s23 =	simm.s32 $0x1B8B  }
0xa3: {  	_ =	swait.ge [sflag:s23], $0x1  }
0xa4: {  	[sflag:s23] =	ssyncset.done $0x0  }
0xa5: {  	s25 =	simm.s32 $0x1B8E;
	s24 =	sld [smem:$0x3FFE];
	[sflag:s23] =	ssyncadd.s32 $0xFFFFFFFF  }
0xa6: {  	s26 =	simm.s32 $execute0_lowered;
	[smem:$0x3FD2] =	sst s25  }
0xa7: {  	s6 =	sshll.u32 s26, $0x1;
	_ =	strace $0x80000046;
	[dreg:$0x1] =	wrdreg $0xFFFFFFFF  }
0xa8: {  	s28 =	simm.s32 $_size_execute0_lowered;
	s4 =	sadd.s32 s4, s6;
	[dreg:$0x0] =	wrdreg $0x0  }
0xa9: {  	s6 =	sshll.u32 s28, $0x1;
	[dreg:$0x2] =	wrdreg s4  }
0xaa: {  	[dreg:$0x3] =	wrdreg s6  }
0xab: {  	[dreg:$0x4] =	wrdreg $0xC0  }
0xac: {  	_ =	task [dreg:s8], $0x5FFFF  }
0xad: {  	[dreg:$0x1] =	wrdreg $0xFFFFFFFF  }
0xae: {  	[dreg:$0x0] =	wrdreg $0x60  }
0xaf: {  	[dreg:$0x2] =	wrdreg s24  }
0xb0: {  	[dreg:$0x3] =	wrdreg s2  }
0xb1: {  	[dreg:$0x4] =	wrdreg s18  }
0xb2: {  	[dreg:$0x5] =	wrdreg $0x164800  }
0xb3: {  	[dreg:$0x6] =	wrdreg $0x9  }
0xb4: {  	_ =	task.clear_ibuf [dreg:s8], $0x7FFFF;
	_ =	strace $0x90000046  }
0xb5: {  	s29 =	simm.s32 $0x9;
	_ =	strace $0x80000048  }
0xb6: {  	_ =	swait.ge [sflag:s29], $0x1  }
0xb7: {  	[sflag:s29] =	ssyncadd.s32 $0xFFFFFFFF  }
0xb8: {  	_ =	strace $0x90000048  }
0xb9: {  	_ =	sfence  }
0xba: {  	s30 =	sld [smem:$0x0];
	_ =	sdelay $0x2  }
0xbb: {  	s31 =	sshll.u32 s1, $0xD;
	s1 =	sshrl.u32 s1, $0x2  }
0xbc: {  	s3 =	sand.u32 $0x4000, s31;
	s1 =	sadd.s32 s1, s30  }
0xbd: {  	s0 =	sor.u32 s3, s0;
	s1 =	sshll.u32 s1, $0x11  }
0xbe: {  	s0 =	sor.u32 s1, s0  }
0xbf: {  	s0 =	sadd.s32 $0x8F2B, s0  }
0xc0: {  	[sflag:s0] =	ssyncadd.remote.s32 $0x1  }
0xc1: {  	_ =	sfence.sel $0xFFFF  }
0xc2: {  	[dreg:$0x0] =	wrdreg $0xFFFFFFFF;
	(pc) =	sbr.abs _section_cstart, $3  }
0xc3: {  	[dreg:$0x1] =	wrdreg $0xFFFFFFFF  }
0xc4: {  	_ =	task.clear_ibuf [dreg:s8], $0x2FFFF;
	_ =	strace $0x9FFFFFFF  }
0xc5: {  	(tm) =	ssettm $0x7FFFFFFF  }
tec
execute0_lowered:
.L_overlay_start_1:
0x0: {  	(tag) =	ssettag $0x1  }
0x1: {  	s3 =	rddreg [dreg:$0x0]  }
0x2: {  	s4 =	rddreg [dreg:$0x1]  }
0x3: {  	s5 =	rddreg [dreg:$0x2]  }
0x4: {  	s1 =	rddreg [dreg:$0x3]  }
0x5: {  	s0 =	rddreg [dreg:$0x4]  }
0x6: {  	s2 =	simm.s32 $0x0;
	s6 =	srdreg.scid;
	s7 =	stileid.u32  }
0x7: {  	s11 =	simm.s32 $0x2;
	s12 =	simm.s32 $0x1;
	s13 =	simm.s32 $0x16400  }
0x8: {  	s14 =	simm.s32 $0x3;
	s15 =	simm.s32 $0x0;
	[smem:$0x7FF] =	sst s2  }
0x9: {  	s6 =	sand.u32 $0x1, s6;
	s8 =	sshll.u32 s7, $0x1;
	s3 =	sadd.s32 $0x800, s3  }
0xa: {  	p0 =	sne.s32 s7, $0x0;
	s7 =	simm.s32 $0x400;
	s9 =	ssub.s32 $0x2, s6  }
0xb: {  	_ =	strace $0x80000047;
	s6 =	sor.u32 s6, s8;
	s31 =	sshrl.u32 s9, $0x1  }
0xc: {  	s10 =	sshll.u32 s6, $0x7;
	s6 =	sshll.u32 s6, $0x4;
	s8 =	ssub.s32 s9, s31  }
0xd: {  	s4 =	sadd.s32 s4, s10;
	s5 =	sadd.s32 s5, s6;
	s9 =	simm.s32 $0x10000  }
0xe: {  	s10 =	sshrl.u32 @!p0 s1, $0x3;
	s6 =	smax.u32 s8, $0x1;
	s8 =	simm.s32 $0x8000  }
.LBB2_1:
0xf: {  	[tilespmem:s9], [sflag:$0x2] =	stream.strided.gather [hbm4b:s4+s7], $0x6400, s8, s7, $0x38;
	[tilespmem:$0x17480] =	vst v63  }
0x10: {  	s16 =	simm.s32 @!p0 $0x1C03  }
0x11: {  	[spmem:s10], [sflag:s16] =	dma.local @!p0 [hbm:s3], $0x2000  }
0x12: {  	s16 =	simm.s32 @!p0 $0x3  }
0x13: {  	_ =	swait.ge @!p0 [sflag:s16], $0x2000  }
0x14: {  	[sflag:s16] =	ssyncset.done @!p0 $0x0  }
0x15: {  	[sflag:s16] =	ssyncadd.s32 @!p0 $0xFFFFE000  }
0x16: {  	[bflag:$0x0] =	sbarrier.arrive $0xFFFF  }
0x17: {  	[tilespmem:s2], [sflag:$0x1] =	stream.linear.gather [spmem:s1], $0x10000, $0x38;
	[tilespmem:$0x17480] =	vst v63  }
0x18: {  	_ =	swait.ge [sflag:s11], $0x6400  }
0x19: {  	[sflag:s11] =	ssyncset.done $0x0  }
0x1a: {  	[sflag:s11] =	ssyncadd.s32 $0xFFFF9C00  }
0x1b: {  	_ =	swait.ge [sflag:s12], $0x10000  }
0x1c: {  	[sflag:s12] =	ssyncset.done $0x0  }
0x1d: {  	s17 =	simm.s32 $0x0;
	s16 =	simm.s32 $0x10200;
	[sflag:s12] =	ssyncadd.s32 $0xFFFF0000  }
.LBB2_2:
0x1e: {  	v0 =	vld [tilespmem:s16+$0xFFFFFE00];
	_ =	sdelay $0x1  }
0x1f: {  	v1 =	vld [tilespmem:s16+$0xFFFFFE80];
	_ =	sdelay $0x1  }
0x20: {  	v2 =	vld [tilespmem:s16+$0xFFFFFF00]  }
0x21: {  	v4 =	vld [tilespmem:s16+$0xFFFFFF80];
	v3 =	vand.u32 $0xFFFF, v0  }
0x22: {  	v8 =	vld [tilespmem:s16+$0x80]  }
0x23: {  	v5 =	vand.u32 $0xFFFF, v1  }
0x24: {  	v6 =	vld [tilespmem:s16+$0x0]  }
0x25: {  	v10 =	vld [tilespmem:s16+$0x100];
	v7 =	vand.u32 $0xFFFF, v2  }
0x26: {  	v9 =	vand.u32 $0xFFFF, v4;
	v3 =	vld.idx.msk [tilespmem:v3+s2+$0x0], $0xffff  }
0x27: {  	v12 =	vld [tilespmem:s16+$0x180];
	v14 =	vand.u32 $0xFFFF, v8  }
0x28: {  	s19 =	sadd.s32 $0x400, s16;
	v5 =	vld.idx.msk [tilespmem:v5+s2+$0x0], $0xffff  }
0x29: {  	v13 =	vld [tilespmem:s19+$0xFFFFFE00];
	v11 =	vand.u32 $0xFFFF, v6;
	v0 =	vshrl.u32 v0, $0xC  }
0x2a: {  	v0 =	vand.u32 $0xFFFF0, v0;
	v7 =	vld.idx.msk [tilespmem:v7+s2+$0x0], $0xffff  }
0x2b: {  	v15 =	vimm.f32 $0.0e+00;
	v9 =	vld.idx.msk [tilespmem:v9+s2+$0x0], $0xffff;
	v0 =	vshrl.u32 v3, v0;
	v3 =	vshrl.u32 v1, $0xC  }
0x2c: {  	v16 =	vand.u32 $0xFFFF, v10;
	v14 =	vld.idx.msk [tilespmem:v14+s2+$0x0], $0xffff;
	v0 =	vshll.u32 v0, $0x10;
	v3 =	vand.u32 $0xFFFF0, v3  }
0x2d: {  	v2 =	vshrl.u32 v2, $0xC;
	v1 =	vld [tilespmem:s19+$0xFFFFFE80];
	v15 =	vadd.f32 v0, v15;
	v3 =	vshrl.u32 v5, v3  }
0x2e: {  	v2 =	vand.u32 $0xFFFF0, v2;
	v5 =	vld.idx.msk [tilespmem:v11+s2+$0x0], $0xffff;
	v11 =	vand.u32 $0xFFFF, v12;
	v3 =	vshll.u32 v3, $0x10  }
0x2f: {  	v4 =	vshrl.u32 v4, $0xC;
	v7 =	vshrl.u32 v7, v2;
	v0 =	vld [tilespmem:s19+$0xFFFFFF00];
	v3 =	vadd.f32 v3, v15  }
0x30: {  	v4 =	vand.u32 $0xFFFF0, v4;
	v2 =	vld [tilespmem:s19+$0xFFFFFF80];
	v7 =	vshll.u32 v7, $0x10;
	v15 =	vand.u32 $0xFFFF, v13  }
0x31: {  	v6 =	vshrl.u32 v6, $0xC;
	v4 =	vshrl.u32 v9, v4;
	v9 =	vld.idx.msk [tilespmem:v16+s2+$0x0], $0xffff;
	v7 =	vadd.f32 v7, v3  }
0x32: {  	v6 =	vand.u32 $0xFFFF0, v6;
	v4 =	vshll.u32 v4, $0x10;
	v62 =	vand.u32 $0xFFFF, v1;
	v3 =	vld [tilespmem:s19+$0x0]  }
0x33: {  	v5 =	vshrl.u32 v5, v6;
	v6 =	vshrl.u32 v8, $0xC;
	v17 =	vld.idx.msk [tilespmem:v11+s2+$0x0], $0xffff;
	v7 =	vadd.f32 v4, v7  }
0x34: {  	v18 =	vand.u32 $0xFFFF, v0;
	v4 =	vld [tilespmem:s19+$0x80];
	v5 =	vshll.u32 v5, $0x10;
	v6 =	vand.u32 $0xFFFF0, v6  }
0x35: {  	v8 =	vld.idx.msk [tilespmem:v15+s2+$0x0], $0xffff;
	v6 =	vshrl.u32 v14, v6;
	v15 =	vadd.f32 v5, v7;
	v7 =	vshrl.u32 v10, $0xC  }
0x36: {  	v11 =	vand.u32 $0xFFFF, v2;
	v5 =	vld [tilespmem:s19+$0x100];
	v6 =	vshll.u32 v6, $0x10;
	v10 =	vand.u32 $0xFFFF0, v7  }
0x37: {  	v12 =	vshrl.u32 v12, $0xC;
	v7 =	vld.idx.msk [tilespmem:v62+s2+$0x0], $0xffff;
	v14 =	vadd.f32 v6, v15;
	v9 =	vshrl.u32 v9, v10  }
0x38: {  	v63 =	vand.u32 $0xFFFF0, v12;
	v10 =	vand.u32 $0xFFFF, v3;
	v6 =	vld [tilespmem:s19+$0x180];
	v15 =	vshll.u32 v9, $0x10  }
0x39: {  	s18 =	simm.s32 $0x8;
	v13 =	vshrl.u32 v13, $0xC;
	s19 =	sadd.s32 $0x400, s19;
	v9 =	vld.idx.msk [tilespmem:v18+s2+$0x0], $0xffff;
	v12 =	vadd.f32 v15, v14;
	v14 =	vshrl.u32 v17, v63  }
.LBB2_3:
0x3a: {  	v15 =	vld [tilespmem:s19+$0xFFFFFE00];
	v13 =	vand.u32 $0xFFFF0, v13;
	v16 =	vand.u32 $0xFFFF, v4;
	v14 =	vshll.u32 v14, $0x10  }
0x3b: {  	s18 =	sadd.s32 $0x8, s18;
	v8 =	vshrl.u32 v8, v13;
	v13 =	vshrl.u32 v1, $0xC;
	v11 =	vld.idx.msk [tilespmem:v11+s2+$0x0], $0xffff;
	v12 =	vadd.f32 v14, v12  }
0x3c: {  	p1 =	slt.u32 s18, $0xC0;
	v14 =	vand.u32 $0xFFFF, v5;
	v1 =	vld [tilespmem:s19+$0xFFFFFE80];
	v8 =	vshll.u32 v8, $0x10;
	v13 =	vand.u32 $0xFFFF0, v13  }
0x3d: {  	v8 =	vadd.f32 v8, v12;
	v7 =	vshrl.u32 v7, v13;
	v12 =	vshrl.u32 v0, $0xC;
	v10 =	vld.idx.msk [tilespmem:v10+s2+$0x0], $0xffff  }
0x3e: {  	v13 =	vand.u32 $0xFFFF, v6;
	v0 =	vld [tilespmem:s19+$0xFFFFFF00];
	v7 =	vshll.u32 v7, $0x10;
	v12 =	vand.u32 $0xFFFF0, v12  }
0x3f: {  	v7 =	vadd.f32 v7, v8;
	v8 =	vshrl.u32 v9, v12;
	v9 =	vshrl.u32 v2, $0xC;
	v12 =	vld.idx.msk [tilespmem:v16+s2+$0x0], $0xffff  }
0x40: {  	v16 =	vand.u32 $0xFFFF, v15;
	v2 =	vld [tilespmem:s19+$0xFFFFFF80];
	v8 =	vshll.u32 v8, $0x10;
	v9 =	vand.u32 $0xFFFF0, v9  }
0x41: {  	v7 =	vadd.f32 v8, v7;
	v8 =	vshrl.u32 v11, v9;
	v9 =	vshrl.u32 v3, $0xC;
	v14 =	vld.idx.msk [tilespmem:v14+s2+$0x0], $0xffff  }
0x42: {  	v17 =	vand.u32 $0xFFFF, v1;
	v3 =	vld [tilespmem:s19+$0x0];
	v8 =	vshll.u32 v8, $0x10;
	v9 =	vand.u32 $0xFFFF0, v9  }
0x43: {  	v7 =	vadd.f32 v8, v7;
	v8 =	vshrl.u32 v10, v9;
	v9 =	vshrl.u32 v4, $0xC;
	v18 =	vld.idx.msk [tilespmem:v13+s2+$0x0], $0xffff  }
0x44: {  	v19 =	vand.u32 $0xFFFF, v0;
	v4 =	vld [tilespmem:s19+$0x80];
	v10 =	vshll.u32 v8, $0x10;
	v9 =	vand.u32 $0xFFFF0, v9  }
.Ltmp0:
0x45: {  	v8 =	vld.idx.msk [tilespmem:v16+s2+$0x0], $0xffff;
	v10 =	vadd.f32 v10, v7;
	v7 =	vshrl.u32 v12, v9;
	v9 =	vshrl.u32 v5, $0xC;
	(pc) =	sbr.rel @p1 .LBB2_3-.Ltmp0, $4  }
0x46: {  	v11 =	vand.u32 $0xFFFF, v2;
	v5 =	vld [tilespmem:s19+$0x100];
	v12 =	vshll.u32 v7, $0x10;
	v9 =	vand.u32 $0xFFFF0, v9  }
0x47: {  	v13 =	vshrl.u32 v6, $0xC;
	v7 =	vld.idx.msk [tilespmem:v17+s2+$0x0], $0xffff;
	v12 =	vadd.f32 v12, v10;
	v9 =	vshrl.u32 v14, v9  }
0x48: {  	v16 =	vand.u32 $0xFFFF0, v13;
	v10 =	vand.u32 $0xFFFF, v3;
	v6 =	vld [tilespmem:s19+$0x180];
	v14 =	vshll.u32 v9, $0x10  }
0x49: {  	v13 =	vshrl.u32 v15, $0xC;
	s19 =	sadd.s32 $0x400, s19;
	v9 =	vld.idx.msk [tilespmem:v19+s2+$0x0], $0xffff;
	v12 =	vadd.f32 v14, v12;
	v14 =	vshrl.u32 v18, v16  }
0x4a: {  	_ =	sdelay $0x1  }
0x4b: {  	v13 =	vand.u32 $0xFFFF0, v13;
	v15 =	vand.u32 $0xFFFF, v4;
	v14 =	vshll.u32 v14, $0x10  }
0x4c: {  	v1 =	vshrl.u32 v1, $0xC;
	v8 =	vshrl.u32 v8, v13;
	v12 =	vadd.f32 v14, v12  }
0x4d: {  	v11 =	vld.idx.msk [tilespmem:v11+s2+$0x0], $0xffff;
	v0 =	vshrl.u32 v0, $0xC;
	v1 =	vand.u32 $0xFFFF0, v1;
	v8 =	vshll.u32 v8, $0x10  }
0x4e: {  	v49 =	vand.u32 $0xFFFF, v5;
	v1 =	vshrl.u32 v7, v1;
	v8 =	vadd.f32 v8, v12  }
0x4f: {  	v50 =	vld.idx.msk [tilespmem:v10+s2+$0x0], $0xffff;
	v2 =	vshrl.u32 v2, $0xC;
	v0 =	vand.u32 $0xFFFF0, v0;
	v1 =	vshll.u32 v1, $0x10  }
0x50: {  	v51 =	vand.u32 $0xFFFF, v6;
	v0 =	vshrl.u32 v9, v0;
	v1 =	vadd.f32 v1, v8  }
0x51: {  	v2 =	vand.u32 $0xFFFF0, v2;
	v52 =	vld.idx.msk [tilespmem:v15+s2+$0x0], $0xffff;
	v0 =	vshll.u32 v0, $0x10  }
0x52: {  	v54 =	vshrl.u32 v3, $0xC;
	v53 =	vshrl.u32 v11, v2;
	v0 =	vadd.f32 v0, v1  }
0x53: {  	v2 =	vand.u32 $0xFFFF0, v54;
	v55 =	vld.idx.msk [tilespmem:v49+s2+$0x0], $0xffff;
	v1 =	vshll.u32 v53, $0x10  }
0x54: {  	v57 =	vshrl.u32 v4, $0xC;
	v56 =	vshrl.u32 v50, v2;
	v0 =	vadd.f32 v1, v0  }
0x55: {  	v2 =	vand.u32 $0xFFFF0, v57;
	v58 =	vld.idx.msk [tilespmem:v51+s2+$0x0], $0xffff;
	v1 =	vshll.u32 v56, $0x10  }
0x56: {  	v60 =	vshrl.u32 v5, $0xC;
	v59 =	vshrl.u32 v52, v2;
	v0 =	vadd.f32 v1, v0  }
0x57: {  	v2 =	vand.u32 $0xFFFF0, v60;
	v1 =	vshll.u32 v59, $0x10  }
0x58: {  	v62 =	vshrl.u32 v6, $0xC;
	v61 =	vshrl.u32 v55, v2;
	v0 =	vadd.f32 v1, v0  }
0x59: {  	v2 =	vand.u32 $0xFFFF0, v62;
	v1 =	vshll.u32 v61, $0x10  }
0x5a: {  	v63 =	vshrl.u32 v58, v2;
	v0 =	vadd.f32 v1, v0  }
0x5b: {  	v1 =	vshll.u32 v63, $0x10  }
0x5c: {  	v0 =	vadd.f32 v1, v0;
	_ =	sdelay $0x1  }
0x5d: {  	v0 =	vsub.f32 $0.0e+00, v0;
	_ =	sdelay $0x1  }
0x5e: {  	v0 =	vmul.f32 $1.442695020e+00, v0;
	_ =	sdelay $0x1  }
0x5f: {  	(erf) = vpow2.f32 v0;
	_ =	sdelay $0x8  }
0x60: {  	v0 =	vpop (erf)  }
0x61: {  	v0 =	vadd.f32 $1.000000000e+00, v0;
	_ =	sdelay $0x1  }
0x62: {  	(erf) = vrcp.f32 v0;
	_ =	sdelay $0x3  }
0x63: {  	s18 =	sshll.u32 s17, $0x4;
	s17 =	sadd.s32 $0x1, s17  }
0x64: {  	p1 =	sne.s32 s17, $0x8  }
.Ltmp1:
0x65: {  	_ = 	snop;
	(pc) =	sbr.rel @p1 .LBB2_2-.Ltmp1, $3  }
0x66: {  	_ =	sdelay $0x1  }
0x67: {  	s18 =	sand.u32 $0x3FFFFFF0, s18;
	v0 =	vpop (erf)  }
0x68: {  	s16 =	sadd.s32 $0x10, s16;
	[tilespmem:s18+$0x16400] =	vst v0  }
0x69: {  	s15 =	sadd.s32 $0x1, s15  }
0x6a: {  	p1 =	sne.s32 s15, s6  }
.Ltmp2:
0x6b: {  	_ = 	snop;
	(pc) =	sbr.rel @p1 .LBB2_1-.Ltmp2, $4  }
0x6c: {  	[hbm4b:s5+s2] =	stream.linear.scatter [tilespmem:s13], [sflag:$0x3], $0x80, $0x38;
	[tilespmem:$0x17480] =	vst v63  }
0x6d: {  	_ =	swait.ge [sflag:s14], $0x80  }
0x6e: {  	[sflag:s14] =	ssyncset.done $0x0  }
0x6f: {  	[sflag:s14] =	ssyncadd.s32 $0xFFFFFF80  }
0x70: {  	_ =	sfence.sel $0x180000  }
0x71: {  	[bflag:$0x0] =	sbarrier.arrive $0xFFFF  }
0x72: {  	_ =	strace $0x90000047  }
0x73: {  	s0 =	sadd.s32 @!p0 $0x100000, s0;
	[bflag:$0x2] =	sbarrier.arrive $0xFFFF  }
0x74: {  	[sflag:s0] =	ssyncadd.tile.s32 @!p0 $0x1;
	_ =	shalt  }
.Lfunc_end2:
_tile_overlayer_lowered:
.L_overlay_start_2:
0x75: {  	(tag) =	ssettag $0x2  }
0x76: {  	s0 =	rddreg [dreg:$0x0];
	s2 =	stileid.u32  }
0x77: {  	s1 =	rddreg [dreg:$0x1];
	p0 =	sne.s32 s2, $0x0  }
0x78: {  	s3 =	rddreg [dreg:$0x2];
	[bflag:$0x3] =	sbarrier.arrive $0xFFFF;
	s2 =	simm.s32 @!p0 $0x1C03  }
0x79: {  	[timem:s3], [sflag:s2] =	dma.local @!p0 [hbm:s0], s1  }
0x7a: {  	s0 =	simm.s32 @!p0 $0x3  }
0x7b: {  	_ =	swait.ge @!p0 [sflag:s0], s1  }
0x7c: {  	s1 =	ssub.s32 @!p0 $0x0, s1;
	[sflag:s0] =	ssyncset.done @!p0 $0x0  }
0x7d: {  	[sflag:s0] =	ssyncadd.s32 @!p0 s1  }
0x7e: {  	[bflag:$0x3] =	sbarrier.arrive $0xFFFF  }
0x7f: {  	_ =	shalt  }

</sc_bundles>
